<compile_context>
chip_gen: v7x
topology: tpu7x:2x2x1
jax: 0.10.2.dev20260603
libtpu: 0.0.44.dev20260713+nightly
codegen_flags: <defaults>
</compile_context>

<pallas_src>
import functools

import jax
import jax.numpy as jnp
from jax import lax
from jax.experimental import pallas as pl
from jax.experimental.pallas import tpu as pltpu

try:
    from jax.experimental.pallas import tpu_sc as plsc
except ImportError:
    plsc = None

_NUM_CODES = 8192
_DIM = 32
_BETA = 0.25
_TOK_BLOCK = 1024

_NC = 2
_NS = 16
_NW = _NC * _NS


def _argmin_body(zb_ref, eb_ref, a2_ref, b2_ref, idx_ref):
    i = pl.program_id(0)
    ab = lax.dot_general(zb_ref[...], eb_ref[...],
                         (((1,), (1,)), ((), ())),
                         preferred_element_type=jnp.float32)
    dist = a2_ref[...] - 2.0 * ab + b2_ref[...][None, :]
    m = jnp.min(dist, axis=1, keepdims=True)
    ids = lax.broadcasted_iota(jnp.int32, dist.shape, 1)
    idx = jnp.min(jnp.where(dist == m, ids, _NUM_CODES), axis=1)
    idx_ref[pl.ds(i * _TOK_BLOCK, _TOK_BLOCK)] = idx


def _nearest_codes(z_flat, embedding):
    n_tok = z_flat.shape[0]
    grid = n_tok // _TOK_BLOCK
    a2 = jnp.sum(z_flat ** 2, axis=1, keepdims=True)
    b2 = jnp.sum(embedding ** 2, axis=1)
    return pl.pallas_call(
        _argmin_body,
        grid=(grid,),
        in_specs=[
            pl.BlockSpec((_TOK_BLOCK, _DIM), lambda i: (i, 0)),
            pl.BlockSpec((_NUM_CODES, _DIM), lambda i: (0, 0)),
            pl.BlockSpec((_TOK_BLOCK, 1), lambda i: (i, 0)),
            pl.BlockSpec((_NUM_CODES,), lambda i: (0,)),
        ],
        out_specs=pl.BlockSpec((n_tok,), lambda i: (0,)),
        out_shape=jax.ShapeDtypeStruct((n_tok,), jnp.int32),
    )(z_flat.astype(jnp.bfloat16), embedding.astype(jnp.bfloat16), a2, b2)


def _sc_gather_count(embedding, indices):
    n_tok = indices.shape[0]
    bpw = n_tok // _NW
    mesh = plsc.VectorSubcoreMesh(core_axis_name="c", subcore_axis_name="s")

    @functools.partial(
        pl.kernel,
        mesh=mesh,
        compiler_params=pltpu.CompilerParams(
            needs_layout_passes=False, use_tc_tiling_on_sc=False),
        out_type=(
            jax.ShapeDtypeStruct((n_tok, _DIM), jnp.float32),
            jax.ShapeDtypeStruct((_NW, _NUM_CODES), jnp.float32),
        ),
        scratch_types=[
            pltpu.VMEM((bpw,), jnp.int32),
            pltpu.VMEM((bpw, _DIM), jnp.float32),
            pltpu.VMEM((_NUM_CODES,), jnp.float32),
            pltpu.SemaphoreType.DMA,
        ],
    )
    def k(emb_hbm, idx_hbm, q_hbm, cnt_hbm, idx_v, rows_v, cnt_v, sem):
        wid = lax.axis_index("s") * _NC + lax.axis_index("c")
        base = wid * bpw
        pltpu.sync_copy(idx_hbm.at[pl.ds(base, bpw)], idx_v)
        pltpu.async_copy(emb_hbm.at[idx_v], rows_v, sem).wait()
        pltpu.sync_copy(rows_v, q_hbm.at[pl.ds(base, bpw)])

        def zero_body(j, _):
            cnt_v[pl.ds(j * 16, 16)] = jnp.zeros((16,), jnp.float32)
            return 0

        lax.fori_loop(0, _NUM_CODES // 16, zero_body, 0)
        ones = jnp.ones((16,), jnp.float32)
        for j in range(bpw // 16):
            idx16 = idx_v[pl.ds(j * 16, 16)]
            plsc.addupdate_scatter(cnt_v, [idx16], ones)
        pltpu.sync_copy(cnt_v, cnt_hbm.at[wid])

    return k(embedding, indices)


def _final_body(z_ref, q_ref, c_ref, zq_ref, com_ref, per_ref, use_ref):
    z = z_ref[...]
    q = q_ref[...]
    zq_ref[...] = z + (q - z)
    diff = z - q
    n = z.shape[0] * z.shape[1]
    com_ref[0, 0] = _BETA * (jnp.sum(diff * diff) / n)
    counts = jnp.sum(c_ref[...], axis=0)
    avg = counts / float(z.shape[0])
    per_ref[0, 0] = jnp.exp(-jnp.sum(avg * jnp.log(avg + 1e-10)))
    use_ref[0, 0] = jnp.sum((counts > 0).astype(jnp.float32)) / _NUM_CODES


def _finalize(z_flat, q_flat, cnt):
    n_tok = z_flat.shape[0]
    scalar = jax.ShapeDtypeStruct((1, 1), jnp.float32)
    return pl.pallas_call(
        _final_body,
        out_shape=(
            jax.ShapeDtypeStruct((n_tok, _DIM), jnp.float32),
            scalar, scalar, scalar,
        ),
        out_specs=(
            pl.BlockSpec(memory_space=pltpu.VMEM),
            pl.BlockSpec(memory_space=pltpu.SMEM),
            pl.BlockSpec(memory_space=pltpu.SMEM),
            pl.BlockSpec(memory_space=pltpu.SMEM),
        ),
    )(z_flat, q_flat, cnt)


def kernel(z_e, embedding):
    b, d, h, w = z_e.shape
    z_flat = jnp.transpose(z_e, (0, 2, 3, 1)).reshape(-1, d)
    indices = _nearest_codes(z_flat, embedding)
    q_flat, cnt = _sc_gather_count(embedding, indices)
    zq_flat, com, per, use = _finalize(z_flat, q_flat, cnt)
    z_q = jnp.transpose(zq_flat.reshape(b, h, w, d), (0, 3, 1, 2))
    indices_out = indices.reshape(b, h, w)
    commit_loss = com.reshape(())
    codebook_loss = jnp.zeros(())
    perplexity = per.reshape(())
    usage = use.reshape(())
    return (z_q, indices_out, commit_loss, codebook_loss, perplexity, usage)

# --- scband reference (transcript-rebuilt; emitter-appended) ---
"""Pipeline reference for scband-vanilla-vq-25589415150075 (READ-ONLY COPY).

The authoritative reference and input builder live on the scoring server;
editing this copy changes nothing except your own understanding.
"""

import jax, jax.numpy as jnp
import numpy as np

NUM_CODES = 8192
DIM = 32
BETA = 0.25


def setup_inputs(seed: int = 0) -> dict:
    key = jax.random.key(seed)
    k1, k2 = jax.random.split(key)
    z_e = jax.random.normal(k1, (8, DIM, 32, 32), dtype=jnp.float32)
    embedding = jax.random.normal(k2, (NUM_CODES, DIM), dtype=jnp.float32) * 0.01
    return {"z_e": z_e, "embedding": embedding}


def reference(z_e, embedding):
    b, d, h, w = z_e.shape
    # _flatten_spatial: (B, D, H, W) -> (B*H*W, D)
    z_flat = jnp.transpose(z_e, (0, 2, 3, 1)).reshape(-1, d)
    # lookup on detached activations (eval mode: no data-dep init, no EMA update)
    zf = jax.lax.stop_gradient(z_flat)
    a2 = jnp.sum(zf ** 2, axis=1, keepdims=True)
    b2 = jnp.sum(embedding ** 2, axis=1)
    ab = zf @ embedding.T
    dist = a2 - 2.0 * ab + b2[None, :]
    indices = jnp.argmin(dist, axis=1)
    q_flat = jnp.take(embedding, indices, axis=0)
    # straight-through estimator
    z_q_flat = z_flat + jax.lax.stop_gradient(q_flat - z_flat)
    # commitment loss (q detached)
    commit = jnp.mean((z_flat - jax.lax.stop_gradient(q_flat)) ** 2)
    commit_loss = BETA * commit
    codebook_loss = jnp.zeros(())
    # perplexity: exp(-sum p log(p + 1e-10)), p = mean one-hot usage
    n_tok = indices.shape[0]
    counts = jnp.bincount(indices, length=NUM_CODES)
    avg = counts.astype(jnp.float32) / n_tok
    perplexity = jnp.exp(-jnp.sum(avg * jnp.log(avg + 1e-10)))
    # usage: fraction of codes used at least once
    usage = jnp.mean((counts > 0).astype(jnp.float32))
    z_q = jnp.transpose(z_q_flat.reshape(b, h, w, d), (0, 3, 1, 2))
    indices_out = indices.reshape(b, h, w)
    return (z_q, indices_out, commit_loss, codebook_loss, perplexity, usage)

if __name__ == "__main__":
    import jax
    _d = setup_inputs()
    print(jax.jit(kernel)(*tuple(_d.values())))

</pallas_src>

<mosaic_0001>
#map = affine_map<(d0, d1) -> (0, 0)>
#map1 = affine_map<(d0, d1) -> (0)>
module attributes {stable_mosaic.version = 14 : i64} {
  func.func @k(%arg0: i32, %arg1: i32, %arg2: memref<8192x32xf32, #tpu.memory_space<hbm>>, %arg3: memref<8192xi32, #tpu.memory_space<hbm>>, %arg4: memref<8192x32xf32, #tpu.memory_space<hbm>>, %arg5: memref<32x8192xf32, #tpu.memory_space<hbm>>, %arg6: memref<256xi32, #tpu.memory_space<vmem>>, %arg7: memref<256x32xf32, #tpu.memory_space<vmem>>, %arg8: memref<8192xf32, #tpu.memory_space<vmem>>, %arg9: memref<!tpu.dma_semaphore, #tpu.memory_space<semaphore_mem>>) attributes {dimension_semantics = [#tpu.dimension_semantics<core_parallel>, #tpu.dimension_semantics<subcore_parallel>], iteration_bounds = array<i64: 2, 16>, scalar_prefetch = 0 : i64, scratch_operands = 4 : i64, tpu.core_type = #tpu.core_type<sc_vector_subcore>, window_params = [{transform_indices = #map}, {transform_indices = #map1}, {transform_indices = #map}, {transform_indices = #map}]} {
    %mul3A = arith.constant 2 : i32
    %mul3A_0 = arith.muli %arg1, %mul3A : i32
    %add3A = arith.addi %mul3A_0, %arg0 : i32
    %mul3A_1 = arith.constant 256 : i32
    %mul3A_2 = arith.muli %add3A, %mul3A_1 : i32
    "tpu.region"() ({
      %run_scoped3A = tpu.sem_alloc : memref<!tpu.dma_semaphore, #tpu.memory_space<semaphore_mem>>
      %dma_start3A_45 = tpu.memref_slice %arg3[%mul3A_2] : memref<8192xi32, #tpu.memory_space<hbm>> -> memref<256xi32, #tpu.memory_space<hbm>>
      %dma_start3A_46 = tpu.memref_slice %arg3[%mul3A_2] : memref<8192xi32, #tpu.memory_space<hbm>> -> memref<256xi32, #tpu.memory_space<hbm>>
      tpu.enqueue_dma source(%dma_start3A_46 : memref<256xi32, #tpu.memory_space<hbm>>) target(%arg6 : memref<256xi32, #tpu.memory_space<vmem>>) target_semaphore(%run_scoped3A : memref<!tpu.dma_semaphore, #tpu.memory_space<semaphore_mem>>)
      %dma_wait3A_47 = tpu.memref_slice %arg3[%mul3A_2] : memref<8192xi32, #tpu.memory_space<hbm>> -> memref<256xi32, #tpu.memory_space<hbm>>
      %dma_wait3A_48 = tpu.memref_slice %arg3[%mul3A_2] : memref<8192xi32, #tpu.memory_space<hbm>> -> memref<256xi32, #tpu.memory_space<hbm>>
      tpu.wait_dma2 semaphore(%run_scoped3A : memref<!tpu.dma_semaphore, #tpu.memory_space<semaphore_mem>>) src(%dma_wait3A_48 : memref<256xi32, #tpu.memory_space<hbm>>) dst(%arg6 : memref<256xi32, #tpu.memory_space<vmem>>)
      tpu.yield
    }) : () -> ()
    %dma_start3A = arith.constant 0 : i32
    %dma_start3A_3 = arith.constant 0 : i32
    %dma_start3A_4 = tpu.memref_slice %arg2[%dma_start3A, %dma_start3A_3] : memref<8192x32xf32, #tpu.memory_space<hbm>> -> memref<8192x32xf32, #tpu.memory_space<hbm>>
    tpu.enqueue_indirect_dma source(%dma_start3A_4 : memref<8192x32xf32, #tpu.memory_space<hbm>>) target(%arg7 : memref<256x32xf32, #tpu.memory_space<vmem>>) offsets(%arg6 : memref<256xi32, #tpu.memory_space<vmem>>) semaphore(%arg9 : memref<!tpu.dma_semaphore, #tpu.memory_space<semaphore_mem>>)
    %dma_wait3A = arith.constant 0 : i32
    %dma_wait3A_5 = arith.constant 0 : i32
    %dma_wait3A_6 = tpu.memref_slice %arg2[%dma_wait3A, %dma_wait3A_5] : memref<8192x32xf32, #tpu.memory_space<hbm>> -> memref<8192x32xf32, #tpu.memory_space<hbm>>
    tpu.wait_indirect_dma semaphore(%arg9 : memref<!tpu.dma_semaphore, #tpu.memory_space<semaphore_mem>>) src(%dma_wait3A_6 : memref<8192x32xf32, #tpu.memory_space<hbm>>) dst(%arg7 : memref<256x32xf32, #tpu.memory_space<vmem>>)
    "tpu.region"() ({
      %run_scoped3A = tpu.sem_alloc : memref<!tpu.dma_semaphore, #tpu.memory_space<semaphore_mem>>
      %dma_start3A_45 = arith.constant 0 : i32
      %dma_start3A_46 = tpu.memref_slice %arg4[%mul3A_2, %dma_start3A_45] : memref<8192x32xf32, #tpu.memory_space<hbm>> -> memref<256x32xf32, #tpu.memory_space<hbm>>
      %dma_start3A_47 = arith.constant 0 : i32
      %dma_start3A_48 = tpu.memref_slice %arg4[%mul3A_2, %dma_start3A_47] : memref<8192x32xf32, #tpu.memory_space<hbm>> -> memref<256x32xf32, #tpu.memory_space<hbm>>
      tpu.enqueue_dma source(%arg7 : memref<256x32xf32, #tpu.memory_space<vmem>>) target(%dma_start3A_48 : memref<256x32xf32, #tpu.memory_space<hbm>>) target_semaphore(%run_scoped3A : memref<!tpu.dma_semaphore, #tpu.memory_space<semaphore_mem>>)
      %dma_wait3A_49 = arith.constant 0 : i32
      %dma_wait3A_50 = tpu.memref_slice %arg4[%mul3A_2, %dma_wait3A_49] : memref<8192x32xf32, #tpu.memory_space<hbm>> -> memref<256x32xf32, #tpu.memory_space<hbm>>
      %dma_wait3A_51 = arith.constant 0 : i32
      %dma_wait3A_52 = tpu.memref_slice %arg4[%mul3A_2, %dma_wait3A_51] : memref<8192x32xf32, #tpu.memory_space<hbm>> -> memref<256x32xf32, #tpu.memory_space<hbm>>
      tpu.wait_dma2 semaphore(%run_scoped3A : memref<!tpu.dma_semaphore, #tpu.memory_space<semaphore_mem>>) src(%arg7 : memref<256x32xf32, #tpu.memory_space<vmem>>) dst(%dma_wait3A_52 : memref<256x32xf32, #tpu.memory_space<hbm>>)
      tpu.yield
    }) : () -> ()
    %scan3A = arith.constant 0 : i32
    %scan3A_7 = arith.constant 0 : i32
    %scan3A_8 = arith.constant 512 : i32
    %scan3A_9 = arith.addi %scan3A_7, %scan3A_8 : i32
    %scan3A_10 = arith.constant 1 : i32
    %scan3A_11 = scf.for %scan3A_45 = %scan3A_7 to %scan3A_9 step %scan3A_10 iter_args(%scan3A_46 = %scan3A) -> (i32)  : i32 {
      %broadcast_in_dim3A_47 = arith.constant 0.000000e+00 : f32
      %broadcast_in_dim3A_48 = vector.broadcast %broadcast_in_dim3A_47 : f32 to vector<16xf32>
      %mul3A_49 = arith.constant 16 : i32
      %mul3A_50 = arith.muli %scan3A_45, %mul3A_49 : i32
      %swap3A = arith.index_cast %mul3A_50 : i32 to index
      %swap3A_51 = tpu.vector_load %arg8[%swap3A] {strides = array<i32>} : memref<8192xf32, #tpu.memory_space<vmem>>, vector<16xf32>,
      tpu.vector_store %arg8[%swap3A], %broadcast_in_dim3A_48 {strides = array<i32>} : memref<8192xf32, #tpu.memory_space<vmem>>, vector<16xf32>,
      %scan3A_52 = arith.constant 0 : i32
      scf.yield %scan3A_52 : i32
    }
    %scan3A_12 = arith.constant 512 : i32
    %broadcast_in_dim3A = arith.constant 1.000000e+00 : f32
    %broadcast_in_dim3A_13 = vector.broadcast %broadcast_in_dim3A : f32 to vector<16xf32>
    %get3A = arith.constant 0 : index
    %get3A_14 = tpu.vector_load %arg6[%get3A] {strides = array<i32>} : memref<256xi32, #tpu.memory_space<vmem>>, vector<16xi32>,
    tpu.vector_store_idx %arg8[%get3A_14], %broadcast_in_dim3A_13 {add = true} : memref<8192xf32, #tpu.memory_space<vmem>>[vector<16xi32>], vector<16xf32>,
    %get3A_15 = arith.constant 16 : index
    %get3A_16 = tpu.vector_load %arg6[%get3A_15] {strides = array<i32>} : memref<256xi32, #tpu.memory_space<vmem>>, vector<16xi32>,
    tpu.vector_store_idx %arg8[%get3A_16], %broadcast_in_dim3A_13 {add = true} : memref<8192xf32, #tpu.memory_space<vmem>>[vector<16xi32>], vector<16xf32>,
    %get3A_17 = arith.constant 32 : index
    %get3A_18 = tpu.vector_load %arg6[%get3A_17] {strides = array<i32>} : memref<256xi32, #tpu.memory_space<vmem>>, vector<16xi32>,
    tpu.vector_store_idx %arg8[%get3A_18], %broadcast_in_dim3A_13 {add = true} : memref<8192xf32, #tpu.memory_space<vmem>>[vector<16xi32>], vector<16xf32>,
    %get3A_19 = arith.constant 48 : index
    %get3A_20 = tpu.vector_load %arg6[%get3A_19] {strides = array<i32>} : memref<256xi32, #tpu.memory_space<vmem>>, vector<16xi32>,
    tpu.vector_store_idx %arg8[%get3A_20], %broadcast_in_dim3A_13 {add = true} : memref<8192xf32, #tpu.memory_space<vmem>>[vector<16xi32>], vector<16xf32>,
    %get3A_21 = arith.constant 64 : index
    %get3A_22 = tpu.vector_load %arg6[%get3A_21] {strides = array<i32>} : memref<256xi32, #tpu.memory_space<vmem>>, vector<16xi32>,
    tpu.vector_store_idx %arg8[%get3A_22], %broadcast_in_dim3A_13 {add = true} : memref<8192xf32, #tpu.memory_space<vmem>>[vector<16xi32>], vector<16xf32>,
    %get3A_23 = arith.constant 80 : index
    %get3A_24 = tpu.vector_load %arg6[%get3A_23] {strides = array<i32>} : memref<256xi32, #tpu.memory_space<vmem>>, vector<16xi32>,
    tpu.vector_store_idx %arg8[%get3A_24], %broadcast_in_dim3A_13 {add = true} : memref<8192xf32, #tpu.memory_space<vmem>>[vector<16xi32>], vector<16xf32>,
    %get3A_25 = arith.constant 96 : index
    %get3A_26 = tpu.vector_load %arg6[%get3A_25] {strides = array<i32>} : memref<256xi32, #tpu.memory_space<vmem>>, vector<16xi32>,
    tpu.vector_store_idx %arg8[%get3A_26], %broadcast_in_dim3A_13 {add = true} : memref<8192xf32, #tpu.memory_space<vmem>>[vector<16xi32>], vector<16xf32>,
    %get3A_27 = arith.constant 112 : index
    %get3A_28 = tpu.vector_load %arg6[%get3A_27] {strides = array<i32>} : memref<256xi32, #tpu.memory_space<vmem>>, vector<16xi32>,
    tpu.vector_store_idx %arg8[%get3A_28], %broadcast_in_dim3A_13 {add = true} : memref<8192xf32, #tpu.memory_space<vmem>>[vector<16xi32>], vector<16xf32>,
    %get3A_29 = arith.constant 128 : index
    %get3A_30 = tpu.vector_load %arg6[%get3A_29] {strides = array<i32>} : memref<256xi32, #tpu.memory_space<vmem>>, vector<16xi32>,
    tpu.vector_store_idx %arg8[%get3A_30], %broadcast_in_dim3A_13 {add = true} : memref<8192xf32, #tpu.memory_space<vmem>>[vector<16xi32>], vector<16xf32>,
    %get3A_31 = arith.constant 144 : index
    %get3A_32 = tpu.vector_load %arg6[%get3A_31] {strides = array<i32>} : memref<256xi32, #tpu.memory_space<vmem>>, vector<16xi32>,
    tpu.vector_store_idx %arg8[%get3A_32], %broadcast_in_dim3A_13 {add = true} : memref<8192xf32, #tpu.memory_space<vmem>>[vector<16xi32>], vector<16xf32>,
    %get3A_33 = arith.constant 160 : index
    %get3A_34 = tpu.vector_load %arg6[%get3A_33] {strides = array<i32>} : memref<256xi32, #tpu.memory_space<vmem>>, vector<16xi32>,
    tpu.vector_store_idx %arg8[%get3A_34], %broadcast_in_dim3A_13 {add = true} : memref<8192xf32, #tpu.memory_space<vmem>>[vector<16xi32>], vector<16xf32>,
    %get3A_35 = arith.constant 176 : index
    %get3A_36 = tpu.vector_load %arg6[%get3A_35] {strides = array<i32>} : memref<256xi32, #tpu.memory_space<vmem>>, vector<16xi32>,
    tpu.vector_store_idx %arg8[%get3A_36], %broadcast_in_dim3A_13 {add = true} : memref<8192xf32, #tpu.memory_space<vmem>>[vector<16xi32>], vector<16xf32>,
    %get3A_37 = arith.constant 192 : index
    %get3A_38 = tpu.vector_load %arg6[%get3A_37] {strides = array<i32>} : memref<256xi32, #tpu.memory_space<vmem>>, vector<16xi32>,
    tpu.vector_store_idx %arg8[%get3A_38], %broadcast_in_dim3A_13 {add = true} : memref<8192xf32, #tpu.memory_space<vmem>>[vector<16xi32>], vector<16xf32>,
    %get3A_39 = arith.constant 208 : index
    %get3A_40 = tpu.vector_load %arg6[%get3A_39] {strides = array<i32>} : memref<256xi32, #tpu.memory_space<vmem>>, vector<16xi32>,
    tpu.vector_store_idx %arg8[%get3A_40], %broadcast_in_dim3A_13 {add = true} : memref<8192xf32, #tpu.memory_space<vmem>>[vector<16xi32>], vector<16xf32>,
    %get3A_41 = arith.constant 224 : index
    %get3A_42 = tpu.vector_load %arg6[%get3A_41] {strides = array<i32>} : memref<256xi32, #tpu.memory_space<vmem>>, vector<16xi32>,
    tpu.vector_store_idx %arg8[%get3A_42], %broadcast_in_dim3A_13 {add = true} : memref<8192xf32, #tpu.memory_space<vmem>>[vector<16xi32>], vector<16xf32>,
    %get3A_43 = arith.constant 240 : index
    %get3A_44 = tpu.vector_load %arg6[%get3A_43] {strides = array<i32>} : memref<256xi32, #tpu.memory_space<vmem>>, vector<16xi32>,
    tpu.vector_store_idx %arg8[%get3A_44], %broadcast_in_dim3A_13 {add = true} : memref<8192xf32, #tpu.memory_space<vmem>>[vector<16xi32>], vector<16xf32>,
    "tpu.region"() ({
      %run_scoped3A = tpu.sem_alloc : memref<!tpu.dma_semaphore, #tpu.memory_space<semaphore_mem>>
      %dma_start3A_45 = arith.constant 0 : i32
      %dma_start3A_46 = tpu.memref_slice %arg5[%add3A, %dma_start3A_45] : memref<32x8192xf32, #tpu.memory_space<hbm>> -> memref<1x8192xf32, #tpu.memory_space<hbm>>
      %dma_start3A_47 = tpu.memref_squeeze %dma_start3A_46 : memref<1x8192xf32, #tpu.memory_space<hbm>> -> memref<8192xf32, #tpu.memory_space<hbm>>
      %dma_start3A_48 = arith.constant 0 : i32
      %dma_start3A_49 = tpu.memref_slice %arg5[%add3A, %dma_start3A_48] : memref<32x8192xf32, #tpu.memory_space<hbm>> -> memref<1x8192xf32, #tpu.memory_space<hbm>>
      %dma_start3A_50 = tpu.memref_squeeze %dma_start3A_49 : memref<1x8192xf32, #tpu.memory_space<hbm>> -> memref<8192xf32, #tpu.memory_space<hbm>>
      tpu.enqueue_dma source(%arg8 : memref<8192xf32, #tpu.memory_space<vmem>>) target(%dma_start3A_50 : memref<8192xf32, #tpu.memory_space<hbm>>) target_semaphore(%run_scoped3A : memref<!tpu.dma_semaphore, #tpu.memory_space<semaphore_mem>>)
      %dma_wait3A_51 = arith.constant 0 : i32
      %dma_wait3A_52 = tpu.memref_slice %arg5[%add3A, %dma_wait3A_51] : memref<32x8192xf32, #tpu.memory_space<hbm>> -> memref<1x8192xf32, #tpu.memory_space<hbm>>
      %dma_wait3A_53 = tpu.memref_squeeze %dma_wait3A_52 : memref<1x8192xf32, #tpu.memory_space<hbm>> -> memref<8192xf32, #tpu.memory_space<hbm>>
      %dma_wait3A_54 = arith.constant 0 : i32
      %dma_wait3A_55 = tpu.memref_slice %arg5[%add3A, %dma_wait3A_54] : memref<32x8192xf32, #tpu.memory_space<hbm>> -> memref<1x8192xf32, #tpu.memory_space<hbm>>
      %dma_wait3A_56 = tpu.memref_squeeze %dma_wait3A_55 : memref<1x8192xf32, #tpu.memory_space<hbm>> -> memref<8192xf32, #tpu.memory_space<hbm>>
      tpu.wait_dma2 semaphore(%run_scoped3A : memref<!tpu.dma_semaphore, #tpu.memory_space<semaphore_mem>>) src(%arg8 : memref<8192xf32, #tpu.memory_space<vmem>>) dst(%dma_wait3A_56 : memref<8192xf32, #tpu.memory_space<hbm>>)
      tpu.yield
    }) : () -> ()
    return
  }
}

module attributes {stable_mosaic.version = 14 : i64} {
  func.func @_argmin_body(%arg0: i32, %arg1: memref<1024x32xbf16, #tpu.memory_space<vmem>>, %arg2: memref<8192x32xbf16, #tpu.memory_space<vmem>>, %arg3: memref<1024x1xf32, #tpu.memory_space<vmem>>, %arg4: memref<8192xf32, #tpu.memory_space<vmem>>, %arg5: memref<8192xi32, #tpu.memory_space<vmem>>) attributes {dimension_semantics = [#tpu.dimension_semantics<arbitrary>], iteration_bounds = array<i64: 8>, scalar_prefetch = 0 : i64, scratch_operands = 0 : i64, tpu.core_type = #tpu.core_type<tc>, window_params = [{transform_indices = @transform_0, window_bounds = array<i64: 1024, 32>}, {pipeline_mode = #tpu.pipeline_mode<synchronous>, transform_indices = @transform_1, window_bounds = array<i64: 8192, 32>}, {transform_indices = @transform_2, window_bounds = array<i64: 1024, 1>}, {pipeline_mode = #tpu.pipeline_mode<synchronous>, transform_indices = @transform_3, window_bounds = array<i64: 8192>}, {pipeline_mode = #tpu.pipeline_mode<synchronous>, transform_indices = @transform_4, window_bounds = array<i64: 8192>}]} {
    %get3A = arith.constant 0 : index
    %get3A_0 = arith.constant 0 : index
    %get3A_1 = vector.load %arg1[%get3A, %get3A_0] : memref<1024x32xbf16, #tpu.memory_space<vmem>>, vector<1024x32xbf16>
    %get3A_2 = arith.constant 0 : index
    %get3A_3 = arith.constant 0 : index
    %get3A_4 = vector.load %arg2[%get3A_2, %get3A_3] : memref<8192x32xbf16, #tpu.memory_space<vmem>>, vector<8192x32xbf16>
    %dot_general3A = arith.constant dense<0.000000e+00> : vector<1024x8192xf32>
    %dot_general3A_5 = tpu.matmul %get3A_1, %get3A_4, %dot_general3A {dimension_numbers = #tpu.dot_dimension_numbers<[1], [1], [0], [0], [0, 0, 1, 0], [], []>, transpose_lhs_hint = false} : vector<1024x32xbf16>, vector<8192x32xbf16>, vector<1024x8192xf32> -> vector<1024x8192xf32>
    %get3A_6 = arith.constant 0 : index
    %get3A_7 = arith.constant 0 : index
    %get3A_8 = vector.load %arg3[%get3A_6, %get3A_7] : memref<1024x1xf32, #tpu.memory_space<vmem>>, vector<1024x1xf32>
    %mul3A = arith.constant 2.000000e+00 : f32
    %mul3A_9 = vector.broadcast %mul3A : f32 to vector<1024x8192xf32>
    %mul3A_10 = arith.mulf %mul3A_9, %dot_general3A_5 : vector<1024x8192xf32>
    %sub3A = vector.broadcast %get3A_8 : vector<1024x1xf32> to vector<1024x8192xf32>
    %sub3A_11 = arith.subf %sub3A, %mul3A_10 : vector<1024x8192xf32>
    %get3A_12 = arith.constant 0 : index
    %get3A_13 = vector.load %arg4[%get3A_12] : memref<8192xf32, #tpu.memory_space<vmem>>, vector<8192xf32>
    %broadcast_in_dim3A = vector.shape_cast %get3A_13 : vector<8192xf32> to vector<1x8192xf32>
    %add3A = vector.broadcast %broadcast_in_dim3A : vector<1x8192xf32> to vector<1024x8192xf32>
    %add3A_14 = arith.addf %sub3A_11, %add3A : vector<1024x8192xf32>
    %reduce_min3A = arith.constant dense<0x7F800000> : vector<1024xf32>
    %reduce_min3A_15 = vector.multi_reduction <minimumf>, %add3A_14, %reduce_min3A [1] : vector<1024x8192xf32> to vector<1024xf32>
    %broadcast_in_dim3A_16 = vector.shape_cast %reduce_min3A_15 : vector<1024xf32> to vector<1024x1xf32>
    %iota3A = tpu.iota {dimensions = array<i32: 1>} : vector<1024x8192xi32>
    %eq3A = vector.broadcast %broadcast_in_dim3A_16 : vector<1024x1xf32> to vector<1024x8192xf32>
    %eq3A_17 = arith.cmpf oeq, %add3A_14, %eq3A : vector<1024x8192xf32>
    %jit3A = arith.constant 8192 : i32
    %broadcast_in_dim3A_18 = vector.broadcast %jit3A : i32 to vector<1024x8192xi32>
    %select_n3A = arith.select %eq3A_17, %iota3A, %broadcast_in_dim3A_18 : vector<1024x8192xi1>, vector<1024x8192xi32>
    %reduce_min3A_19 = arith.constant dense<2147483647> : vector<1024xi32>
    %reduce_min3A_20 = vector.multi_reduction <minsi>, %select_n3A, %reduce_min3A_19 [1] : vector<1024x8192xi32> to vector<1024xi32>
    %mul3A_21 = arith.constant 1024 : i32
    %mul3A_22 = arith.muli %arg0, %mul3A_21 : i32
    %swap3A = arith.index_cast %mul3A_22 : i32 to index
    %swap3A_23 = vector.load %arg5[%swap3A] : memref<8192xi32, #tpu.memory_space<vmem>>, vector<1024xi32>
    tpu.vector_store %arg5[%swap3A], %reduce_min3A_20 {strides = array<i32>} : memref<8192xi32, #tpu.memory_space<vmem>>, vector<1024xi32>,
    return
  }
  func.func @transform_0(%arg0: i32) -> (i32, i32) {
    %c0_i32 = arith.constant 0 : i32
    %c0_i32_0 = arith.constant 0 : i32
    return %arg0, %c0_i32 : i32, i32
  }
  func.func @transform_1(%arg0: i32) -> (i32, i32) {
    %c0_i32 = arith.constant 0 : i32
    %c0_i32_0 = arith.constant 0 : i32
    %c0_i32_1 = arith.constant 0 : i32
    return %c0_i32, %c0_i32_0 : i32, i32
  }
  func.func @transform_2(%arg0: i32) -> (i32, i32) {
    %c0_i32 = arith.constant 0 : i32
    %c0_i32_0 = arith.constant 0 : i32
    return %arg0, %c0_i32 : i32, i32
  }
  func.func @transform_3(%arg0: i32) -> i32 {
    %c0_i32 = arith.constant 0 : i32
    %c0_i32_0 = arith.constant 0 : i32
    return %c0_i32 : i32
  }
  func.func @transform_4(%arg0: i32) -> i32 {
    %c0_i32 = arith.constant 0 : i32
    %c0_i32_0 = arith.constant 0 : i32
    return %c0_i32 : i32
  }
}

module attributes {stable_mosaic.version = 14 : i64} {
  func.func @_final_body(%arg0: memref<8192x32xf32, #tpu.memory_space<vmem>>, %arg1: memref<8192x32xf32, #tpu.memory_space<vmem>>, %arg2: memref<32x8192xf32, #tpu.memory_space<vmem>>, %arg3: memref<8192x32xf32, #tpu.memory_space<vmem>>, %arg4: memref<1x1xf32, #tpu.memory_space<smem>>, %arg5: memref<1x1xf32, #tpu.memory_space<smem>>, %arg6: memref<1x1xf32, #tpu.memory_space<smem>>) attributes {dimension_semantics = [], scalar_prefetch = 0 : i64, scratch_operands = 0 : i64, tpu.core_type = #tpu.core_type<tc>} {
    %get3A = arith.constant 0 : index
    %get3A_0 = arith.constant 0 : index
    %get3A_1 = vector.load %arg0[%get3A, %get3A_0] : memref<8192x32xf32, #tpu.memory_space<vmem>>, vector<8192x32xf32>
    %get3A_2 = arith.constant 0 : index
    %get3A_3 = arith.constant 0 : index
    %get3A_4 = vector.load %arg1[%get3A_2, %get3A_3] : memref<8192x32xf32, #tpu.memory_space<vmem>>, vector<8192x32xf32>
    %sub3A = arith.subf %get3A_4, %get3A_1 : vector<8192x32xf32>
    %add3A = arith.addf %get3A_1, %sub3A : vector<8192x32xf32>
    %swap3A = arith.constant 0 : index
    %swap3A_5 = arith.constant 0 : index
    %swap3A_6 = vector.load %arg3[%swap3A, %swap3A_5] : memref<8192x32xf32, #tpu.memory_space<vmem>>, vector<8192x32xf32>
    tpu.vector_store %arg3[%swap3A, %swap3A_5], %add3A {strides = array<i32>} : memref<8192x32xf32, #tpu.memory_space<vmem>>, vector<8192x32xf32>,
    %sub3A_7 = arith.subf %get3A_1, %get3A_4 : vector<8192x32xf32>
    %mul3A = arith.mulf %sub3A_7, %sub3A_7 : vector<8192x32xf32>
    %reduce_sum3A = vector.shape_cast %mul3A : vector<8192x32xf32> to vector<1x8192x32xf32>
    %reduce_sum3A_8 = arith.constant dense<0.000000e+00> : vector<1xf32>
    %reduce_sum3A_9 = vector.multi_reduction <add>, %reduce_sum3A, %reduce_sum3A_8 [1, 2] : vector<1x8192x32xf32> to vector<1xf32>
    %reduce_sum3A_10 = vector.shape_cast %reduce_sum3A_9 : vector<1xf32> to vector<1x1x1xf32>
    %reduce_sum3A_11 = vector.extract %reduce_sum3A_10[0, 0, 0] : f32 from vector<1x1x1xf32>
    %div3A = arith.constant 2.621440e+05 : f32
    %div3A_12 = arith.divf %reduce_sum3A_11, %div3A : f32
    %mul3A_13 = arith.constant 2.500000e-01 : f32
    %mul3A_14 = arith.mulf %mul3A_13, %div3A_12 : f32
    %swap3A_15 = arith.constant 0 : index
    %swap3A_16 = arith.constant 0 : index
    %swap3A_17 = memref.load %arg4[%swap3A_15, %swap3A_16] : memref<1x1xf32, #tpu.memory_space<smem>>
    memref.store %mul3A_14, %arg4[%swap3A_15, %swap3A_16] : memref<1x1xf32, #tpu.memory_space<smem>>
    %get3A_18 = arith.constant 0 : index
    %get3A_19 = arith.constant 0 : index
    %get3A_20 = vector.load %arg2[%get3A_18, %get3A_19] : memref<32x8192xf32, #tpu.memory_space<vmem>>, vector<32x8192xf32>
    %reduce_sum3A_21 = arith.constant dense<0.000000e+00> : vector<8192xf32>
    %reduce_sum3A_22 = vector.multi_reduction <add>, %get3A_20, %reduce_sum3A_21 [0] : vector<32x8192xf32> to vector<8192xf32>
    %div3A_23 = arith.constant 8.192000e+03 : f32
    %div3A_24 = vector.broadcast %div3A_23 : f32 to vector<8192xf32>
    %div3A_25 = arith.divf %reduce_sum3A_22, %div3A_24 : vector<8192xf32>
    %add3A_26 = arith.constant 1.000000e-10 : f32
    %add3A_27 = vector.broadcast %add3A_26 : f32 to vector<8192xf32>
    %add3A_28 = arith.addf %div3A_25, %add3A_27 : vector<8192xf32>
    %log3A = math.log %add3A_28 : vector<8192xf32>
    %mul3A_29 = arith.mulf %div3A_25, %log3A : vector<8192xf32>
    %reduce_sum3A_30 = vector.shape_cast %mul3A_29 : vector<8192xf32> to vector<1x8192xf32>
    %reduce_sum3A_31 = arith.constant dense<0.000000e+00> : vector<1xf32>
    %reduce_sum3A_32 = vector.multi_reduction <add>, %reduce_sum3A_30, %reduce_sum3A_31 [1] : vector<1x8192xf32> to vector<1xf32>
    %reduce_sum3A_33 = vector.shape_cast %reduce_sum3A_32 : vector<1xf32> to vector<1x1xf32>
    %reduce_sum3A_34 = vector.extract %reduce_sum3A_33[0, 0] : f32 from vector<1x1xf32>
    %neg3A = arith.constant 0.000000e+00 : f32
    %neg3A_35 = arith.subf %neg3A, %reduce_sum3A_34 : f32
    %exp3A = math.exp %neg3A_35 : f32
    %swap3A_36 = arith.constant 0 : index
    %swap3A_37 = arith.constant 0 : index
    %swap3A_38 = memref.load %arg5[%swap3A_36, %swap3A_37] : memref<1x1xf32, #tpu.memory_space<smem>>
    memref.store %exp3A, %arg5[%swap3A_36, %swap3A_37] : memref<1x1xf32, #tpu.memory_space<smem>>
    %gt3A = arith.constant 0.000000e+00 : f32
    %gt3A_39 = vector.broadcast %gt3A : f32 to vector<8192xf32>
    %gt3A_40 = arith.cmpf ogt, %reduce_sum3A_22, %gt3A_39 : vector<8192xf32>
    %convert_element_type3A = arith.extui %gt3A_40 : vector<8192xi1> to vector<8192xi32>
    %convert_element_type3A_41 = arith.sitofp %convert_element_type3A : vector<8192xi32> to vector<8192xf32>
    %reduce_sum3A_42 = vector.shape_cast %convert_element_type3A_41 : vector<8192xf32> to vector<1x8192xf32>
    %reduce_sum3A_43 = arith.constant dense<0.000000e+00> : vector<1xf32>
    %reduce_sum3A_44 = vector.multi_reduction <add>, %reduce_sum3A_42, %reduce_sum3A_43 [1] : vector<1x8192xf32> to vector<1xf32>
    %reduce_sum3A_45 = vector.shape_cast %reduce_sum3A_44 : vector<1xf32> to vector<1x1xf32>
    %reduce_sum3A_46 = vector.extract %reduce_sum3A_45[0, 0] : f32 from vector<1x1xf32>
    %div3A_47 = arith.constant 8.192000e+03 : f32
    %div3A_48 = arith.divf %reduce_sum3A_46, %div3A_47 : f32
    %swap3A_49 = arith.constant 0 : index
    %swap3A_50 = arith.constant 0 : index
    %swap3A_51 = memref.load %arg6[%swap3A_49, %swap3A_50] : memref<1x1xf32, #tpu.memory_space<smem>>
    memref.store %div3A_48, %arg6[%swap3A_49, %swap3A_50] : memref<1x1xf32, #tpu.memory_space<smem>>
    return
  }
}

</mosaic_0001>

<sc_bundles>
// kernel: kernel.5.cloned.1.call-start
scs
__scs_entry_jumppad:
0x0: {  	(pc) =	sbr.rel $0x88, $3  }
0x1: {  	(tag) =	ssettag $0x0;
	lr =	simm.s32 $0x1  }
0x2: {  	[smem:$0x3F9F] =	sst lr;
	_ =	strace $0xD0000000  }
0x3: {  	_ = 	snop  }
0x4: {  	_ = 	snop  }
0x5: {  	_ = 	snop  }
0x6: {  	_ = 	snop  }
0x7: {  	_ = 	snop  }
__scs_overlays_trampoline_lowered:
0x8: {  	[smem:$0x3FAE] =	sst s0  }
0x9: {  	[smem:$0x3FAF] =	sst s1  }
0xa: {  	[smem:$0x3FB0] =	sst s2  }
0xb: {  	[smem:$0x3FB1] =	sst s3  }
0xc: {  	[smem:$0x3FB2] =	sst s4  }
0xd: {  	[smem:$0x3FB3] =	sst s5  }
0xe: {  	[smem:$0x3FB4] =	sst s6  }
0xf: {  	[smem:$0x3FB5] =	sst s7  }
0x10: {  	[smem:$0x3FB6] =	sst s8  }
0x11: {  	[smem:$0x3FB7] =	sst s9;
	s0 =	simm.s32 @!p0 $0x0  }
0x12: {  	s1 =	sld [smem:$0x3F9D];
	s0 =	simm.s32 @p0 $0x1  }
0x13: {  	[smem:$0x3FB8] =	sst s0;
	s0 =	simm.s32 @!p1 $0x0  }
0x14: {  	s2 =	sld [smem:$0x3F9C];
	s0 =	simm.s32 @p1 $0x1  }
0x15: {  	[smem:$0x3FB9] =	sst s0;
	s0 =	simm.s32 @!p2 $0x0  }
0x16: {  	s3 =	sld [smem:$0x3FDB];
	s0 =	simm.s32 @p2 $0x1  }
0x17: {  	s4 =	simm.s32 $0x1BF5;
	[smem:$0x3FBB] =	sst s0  }
0x18: {  	s0 =	sld [smem:$0x3F9E];
	_ =	swait.ge [sflag:s4], $0x0  }
0x19: {  	s7 =	sld [smem:$0x3F9F]  }
0x1a: {  	s8 =	sadd.s32 $0xFFFFE003, lr  }
0x1b: {  	s9 =	sadd.s32 $0xFFFFFEF7, lr;
	s5 =	simm.s32 $0xFFFFFFFF;
	p2 =	slt.u32 s8, $0xFFFFF086  }
0x1c: {  	p1 =	slt.u32 s9, $0xF7A;
	s5 =	simm.s32 @!p2 $0x0  }
0x1d: {  	s5 =	simm.s32 @p1 $0x1;
	p0 =	seq.s32 s7, s2  }
0x1e: {  	s7 =	smul.u32 @!p0 $0xF7A, s2;
	p2 =	seq.s32 @!p0 s5, $0x0  }
0x1f: {  	s9 =	smul.u32 $0xF7A, s1;
	s8 =	simm.s32 @!p0 $0x1BF5;
	p2 =	por !p2, p0  }
0x20: {  	[sflag:s8] =	ssyncset.s32 @!p0 $0xFFFFF086;
	s6 =	sadd.s32 @!p0 s3, s7;
	s7 =	simm.s32 @!p0 $0x108  }
0x21: {  	s3 =	sadd.s32 s3, s9;
	s6 =	sadd.s32 @!p0 $0x88, s6;
	s7 =	simm.s32 @p2 $0x1082  }
0x22: {  	[simem:s7], [sflag:s8] =	dma.local @!p0 [hbm:s6], $0xF7A  }
0x23: {  	s9 =	sor.u32 $0xD0000000, s2;
	s6 =	simm.s32 $0x108;
	_ =	swait.ge @!p0 [sflag:s8], $0x0  }
0x24: {  	s3 =	sadd.s32 $0x88, s3;
	s6 =	simm.s32 @!p1 $0x1082;
	[sflag:s4] =	ssyncset.s32 $0xFFFFF086  }
0x25: {  	[simem:s6], [sflag:s4] =	dma.local [hbm:s3], $0xF7A  }
0x26: {  	[smem:$0x3F9F] =	sst s1;
	(tag) =	ssettag s2;
	_ =	strace s9  }
0x27: {  	s1 =	sld [smem:$0x3FAF]  }
0x28: {  	s2 =	sld [smem:$0x3FB0]  }
0x29: {  	s4 =	sld [smem:$0x3FB2]  }
0x2a: {  	p0 =	seq.s32 s5, $0x0;
	s5 =	sld [smem:$0x3FB3]  }
0x2b: {  	s6 =	sld [smem:$0x3FB4]  }
0x2c: {  	s7 =	sld [smem:$0x3FB5]  }
0x2d: {  	s3 =	simm.s32 $0x108;
	s8 =	sld [smem:$0x3FB6]  }
0x2e: {  	s3 =	simm.s32 @!p0 $0x1082;
	s9 =	sld [smem:$0x3FB7]  }
0x2f: {  	lr =	sadd.s32 s0, s3;
	s0 =	sld [smem:$0x3FAE]  }
0x30: {  	s3 =	sld [smem:$0x3FB1]  }
0x31: {  	[smem:$0x3FBA] =	sst s10  }
0x32: {  	s10 =	sld [smem:$0x3FB8];
	_ =	sdelay $0x3  }
0x33: {  	p0 =	seq.s32 s10, $0x1;
	s10 =	sld [smem:$0x3FBA];
	_ =	sdelay $0x3  }
0x34: {  	[smem:$0x3FBA] =	sst s10  }
0x35: {  	s10 =	sld [smem:$0x3FB9];
	_ =	sdelay $0x3  }
0x36: {  	p1 =	seq.s32 s10, $0x1;
	s10 =	sld [smem:$0x3FBA];
	_ =	sdelay $0x3  }
0x37: {  	[smem:$0x3FBA] =	sst s10  }
0x38: {  	s10 =	sld [smem:$0x3FBB]  }
0x39: {  	_ = 	snop;
	(pc) =	sbr.ind lr, $3  }
0x3a: {  	_ = 	snop  }
0x3b: {  	_ = 	snop  }
0x3c: {  	p2 =	seq.s32 s10, $0x1;
	s10 =	sld [smem:$0x3FBA]  }
0x3d: {  	_ =	shalt  }
0x3e: {  	_ =	shalt  }
0x3f: {  	_ =	shalt  }
0x40: {  	_ =	shalt  }
0x41: {  	_ =	shalt  }
0x42: {  	_ =	shalt  }
0x43: {  	_ =	shalt  }
0x44: {  	_ =	shalt  }
0x45: {  	_ =	shalt  }
0x46: {  	_ =	shalt  }
0x47: {  	_ =	shalt  }
0x48: {  	_ =	shalt  }
0x49: {  	_ =	shalt  }
0x4a: {  	_ =	shalt  }
0x4b: {  	_ =	shalt  }
0x4c: {  	_ =	shalt  }
0x4d: {  	_ =	shalt  }
0x4e: {  	_ =	shalt  }
0x4f: {  	_ =	shalt  }
0x50: {  	_ =	shalt  }
0x51: {  	_ =	shalt  }
0x52: {  	_ =	shalt  }
0x53: {  	_ =	shalt  }
0x54: {  	_ =	shalt  }
0x55: {  	_ =	shalt  }
0x56: {  	_ =	shalt  }
0x57: {  	_ =	shalt  }
0x58: {  	_ =	shalt  }
0x59: {  	_ =	shalt  }
0x5a: {  	_ =	shalt  }
0x5b: {  	_ =	shalt  }
0x5c: {  	_ =	shalt  }
0x5d: {  	_ =	shalt  }
0x5e: {  	_ =	shalt  }
0x5f: {  	_ =	shalt  }
0x60: {  	_ =	shalt  }
0x61: {  	_ =	shalt  }
0x62: {  	_ =	shalt  }
0x63: {  	_ =	shalt  }
0x64: {  	_ =	shalt  }
0x65: {  	_ =	shalt  }
0x66: {  	_ =	shalt  }
0x67: {  	_ =	shalt  }
0x68: {  	_ =	shalt  }
0x69: {  	_ =	shalt  }
0x6a: {  	_ =	shalt  }
0x6b: {  	_ =	shalt  }
0x6c: {  	_ =	shalt  }
0x6d: {  	_ =	shalt  }
0x6e: {  	_ =	shalt  }
0x6f: {  	_ =	shalt  }
0x70: {  	_ =	shalt  }
0x71: {  	_ =	shalt  }
0x72: {  	_ =	shalt  }
0x73: {  	_ =	shalt  }
0x74: {  	_ =	shalt  }
0x75: {  	_ =	shalt  }
0x76: {  	_ =	shalt  }
0x77: {  	_ =	shalt  }
0x78: {  	_ =	shalt  }
0x79: {  	_ =	shalt  }
0x7a: {  	_ =	shalt  }
0x7b: {  	_ =	shalt  }
0x7c: {  	_ =	shalt  }
0x7d: {  	_ =	shalt  }
0x7e: {  	_ =	shalt  }
0x7f: {  	_ =	shalt  }
0x80: {  	_ =	shalt  }
0x81: {  	_ =	shalt  }
0x82: {  	_ =	shalt  }
0x83: {  	_ =	shalt  }
0x84: {  	_ =	shalt  }
0x85: {  	_ =	shalt  }
0x86: {  	_ =	shalt  }
0x87: {  	_ =	shalt  }
.Lfunc_end0:
.L_simem_size_0:
called_computation_lowered:
.L_overlay_start_0:
0x88: {  	s2 =	sld [smem:$0x3FD9]  }
0x89: {  	s3 =	sld [smem:$0x3FFE];
	_ =	sdelay $0x1  }
0x8a: {  	s1 =	srdreg.scid  }
0x8b: {  	s0 =	sand.u32 $0x1, s1  }
0x8c: {  	s14 =	sshll.u32 s0, $0xA;
	s2 =	sadd.s32 s3, s2  }
0x8d: {  	s2 =	sadd.s32 s2, s14  }
0x8e: {  	[smem:$0x3FC6] =	sst s2  }
0x8f: {  	_ = 	snop  }
0x90: {  	s2 =	sld [smem:$0x3FD0];
	_ =	sdelay $0x2  }
0x91: {  	s15 =	simm.s32 $0xA;
	s4 =	simm.s32 $0x10  }
0x92: {  	[smem:s4], [sflag:s15] =	dma.local [hbm:s2], $0x1  }
0x93: {  	_ =	swait.eq [sflag:s15], $0x1  }
0x94: {  	[sflag:s15] =	ssyncset.done $0x0  }
0x95: {  	[sflag:s15] =	ssyncadd.s32 $0xFFFFFFFF  }
0x96: {  	s16 =	sld [smem:$0x10];
	(tm) =	ssettm $0x1  }
0x97: {  	s17 =	sld [smem:$0x3FFB];
	_ =	sdelay $0x3  }
0x98: {  	_ =	strace s17  }
0x99: {  	s3 =	sld [smem:$0x3FFC];
	_ =	sdelay $0x3  }
0x9a: {  	_ =	strace s3  }
0x9b: {  	s3 =	sld [smem:$0x3FFD];
	_ =	sdelay $0x3  }
0x9c: {  	_ =	strace s3  }
0x9d: {  	_ =	strace $0x8FFFFFFF  }
0x9e: {  	s18 =	sld [smem:$0x3FDB];
	_ =	sdelay $0x1  }
0x9f: {  	s19 =	simm.s32 $_scs_section_size  }
0xa0: {  	s5 =	simm.s32 $_size__tile_overlayer_lowered;
	s6 =	simm.s32 $_tile_overlayer_lowered  }
0xa1: {  	s22 =	simm.s32 $0x1BFF;
	s21 =	sshll.u32 s6, $0x1;
	s3 =	sadd.s32 s19, s18  }
0xa2: {  	s7 =	simm.s32 $0x0;
	s20 =	sshll.u32 s5, $0x1;
	s5 =	sadd.s32 s21, s3  }
0xa3: {  	[timem:s7], [sflag:s22] =	dma.local [hbm:s5], s20  }
0xa4: {  	_ =	swait.ge [sflag:s22], s20  }
0xa5: {  	s4 =	ssub.s32 $0x0, s20;
	[sflag:s22] =	ssyncset.done $0x0  }
0xa6: {  	[sflag:s22] =	ssyncadd.s32 s4;
	_ =	sdelay $0x1  }
0xa7: {  	s23 =	simm.s32 $0x1B8B  }
0xa8: {  	_ =	swait.ge [sflag:s23], $0x1  }
0xa9: {  	[sflag:s23] =	ssyncset.done $0x0  }
0xaa: {  	s25 =	simm.s32 $0x1B8E;
	s24 =	sld [smem:$0x3FFE];
	[sflag:s23] =	ssyncadd.s32 $0xFFFFFFFF  }
0xab: {  	s26 =	simm.s32 $execute0_lowered;
	[smem:$0x3FD2] =	sst s25  }
0xac: {  	s5 =	sshll.u32 s26, $0x1;
	_ =	strace $0x80000046;
	[dreg:$0x1] =	wrdreg $0xFFFFFFFF  }
0xad: {  	s28 =	simm.s32 $_size_execute0_lowered;
	s3 =	sadd.s32 s3, s5;
	[dreg:$0x0] =	wrdreg $0x0  }
0xae: {  	s5 =	sshll.u32 s28, $0x1;
	[dreg:$0x2] =	wrdreg s3  }
0xaf: {  	[dreg:$0x3] =	wrdreg s5  }
0xb0: {  	[dreg:$0x4] =	wrdreg $0xC0  }
0xb1: {  	_ =	task [dreg:s7], $0x5FFFF  }
0xb2: {  	[dreg:$0x1] =	wrdreg $0xFFFFFFFF  }
0xb3: {  	[dreg:$0x0] =	wrdreg $0x60  }
0xb4: {  	[dreg:$0x2] =	wrdreg s16  }
0xb5: {  	[dreg:$0x3] =	wrdreg s24  }
0xb6: {  	[dreg:$0x4] =	wrdreg $0x9  }
0xb7: {  	_ =	task.clear_ibuf [dreg:s7], $0x5FFFF;
	_ =	strace $0x90000046  }
0xb8: {  	s29 =	simm.s32 $0x9;
	_ =	strace $0x80000048  }
0xb9: {  	_ =	swait.ge [sflag:s29], $0x1  }
0xba: {  	[sflag:s29] =	ssyncadd.s32 $0xFFFFFFFF  }
0xbb: {  	_ =	strace $0x90000048  }
0xbc: {  	_ =	sfence  }
0xbd: {  	s30 =	sld [smem:$0x0];
	_ =	sdelay $0x2  }
0xbe: {  	s31 =	sshll.u32 s1, $0xD;
	s1 =	sshrl.u32 s1, $0x2  }
0xbf: {  	s3 =	sand.u32 $0x4000, s31;
	s1 =	sadd.s32 s1, s30  }
0xc0: {  	s0 =	sor.u32 s3, s0;
	s1 =	sshll.u32 s1, $0x11  }
0xc1: {  	s0 =	sor.u32 s1, s0  }
0xc2: {  	s0 =	sadd.s32 $0x8F2B, s0  }
0xc3: {  	[sflag:s0] =	ssyncadd.remote.s32 $0x1  }
0xc4: {  	_ =	sfence.sel $0xFFFF  }
0xc5: {  	[dreg:$0x0] =	wrdreg $0xFFFFFFFF;
	(pc) =	sbr.abs _section_cstart, $3  }
0xc6: {  	[dreg:$0x1] =	wrdreg $0xFFFFFFFF  }
0xc7: {  	_ =	task.clear_ibuf [dreg:s7], $0x2FFFF;
	_ =	strace $0x9FFFFFFF  }
0xc8: {  	(tm) =	ssettm $0x7FFFFFFF  }
0xc9: {  	_ =	shalt  }
tec
execute0_lowered:
.L_overlay_start_1:
0x0: {  	(tag) =	ssettag $0x1  }
0x1: {  	s1 =	rddreg [dreg:$0x0]  }
0x2: {  	s4 =	rddreg [dreg:$0x1]  }
0x3: {  	s0 =	rddreg [dreg:$0x2]  }
0x4: {  	s3 =	simm.s32 $0x0;
	s5 =	srdreg.scid;
	s2 =	stileid.u32  }
0x5: {  	s9 =	simm.s32 $0x100;
	s10 =	simm.s32 $0x1;
	s11 =	simm.s32 $0x2100  }
0x6: {  	[smem:$0x7FF] =	sst s3;
	s5 =	sand.u32 $0x1, s5;
	s6 =	sshll.u32 s2, $0x1  }
0x7: {  	s12 =	simm.s32 $0x0;
	_ =	strace $0x80000047;
	s6 =	sor.u32 s5, s6  }
0x8: {  	s5 =	ssub.s32 $0x2, s5;
	s7 =	sshll.u32 s6, $0x5;
	s6 =	sshll.u32 s6, $0xA  }
0x9: {  	s8 =	sshrl.u32 s5, $0x1;
	s7 =	sadd.s32 s7, s4;
	s6 =	sadd.s32 s6, s4  }
0xa: {  	s8 =	ssub.s32 s5, s8;
	s4 =	sadd.s32 $0x800, s7;
	s5 =	sadd.s32 $0xC00, s6  }
0xb: {  	v0 =	vimm.f32 $0.0e+00;
	v1 =	vimm.f32 $1.000000000e+00;
	s6 =	sadd.s32 $0x8C00, s6;
	s7 =	smax.u32 s8, $0x1;
	s8 =	simm.s32 $0x2  }
.LBB2_1:
0xc: {  	[tilespmem:s3], [sflag:$0x2] =	stream.linear.gather [hbm4b:s4+s3], $0x100, $0x38;
	[tilespmem:$0x4100] =	vst v63  }
0xd: {  	_ =	swait.ge [sflag:s8], $0x100  }
0xe: {  	[sflag:s8] =	ssyncset.done $0x0  }
0xf: {  	[sflag:s8] =	ssyncadd.s32 $0xFFFFFF00  }
0x10: {  	[tilespmem:s9], [sflag:$0x1] =	stream.indirect.gather [hbm4b:s1+s9], $0x20, s3, s9, $0xb8;
	[tilespmem:$0x4100] =	vst v63  }
0x11: {  	_ =	swait.ge [sflag:s10], $0x2000  }
0x12: {  	[sflag:s10] =	ssyncset.done $0x0  }
0x13: {  	[sflag:s10] =	ssyncadd.s32 $0xFFFFE000  }
0x14: {  	[hbm4b:s5+s3] =	stream.linear.scatter [tilespmem:s9], [sflag:$0x2], $0x2000, $0x38;
	[tilespmem:$0x4100] =	vst v63  }
0x15: {  	_ =	swait.ge [sflag:s8], $0x2000  }
0x16: {  	[sflag:s8] =	ssyncset.done $0x0  }
0x17: {  	s13 =	simm.s32 $0x40;
	s14 =	simm.s32 $0x0;
	[sflag:s8] =	ssyncadd.s32 $0xFFFFE000  }
.LBB2_2:
0x18: {  	p0 =	sne.s32 s13, $0x7FC0;
	[tilespmem:s14+$0x2100] =	vst v0;
	s14 =	smov.u32 s13;
	s13 =	sadd.s32 $0x40, s13  }
.Ltmp0:
0x19: {  	(pc) =	sbr.rel @p0 .LBB2_2-.Ltmp0, $2  }
0x1a: {  	_ =	sdelay $0x2  }
0x1b: {  	s14 =	sshra.s32 s14, $0x2  }
0x1c: {  	[tilespmem:s14+$0x2100] =	vst v0  }
0x1d: {  	v2 =	vld [tilespmem:$0x0];
	_ =	sdelay $0x7  }
0x1e: {  	[tilespmem:v2+s11+$0x0] =	vst.idx.add.f32.msk $0xffff, v1  }
0x1f: {  	v2 =	vld [tilespmem:$0x10];
	_ =	sdelay $0x7  }
0x20: {  	[tilespmem:v2+s11+$0x0] =	vst.idx.add.f32.msk $0xffff, v1  }
0x21: {  	v2 =	vld [tilespmem:$0x20];
	_ =	sdelay $0x7  }
0x22: {  	[tilespmem:v2+s11+$0x0] =	vst.idx.add.f32.msk $0xffff, v1  }
0x23: {  	v2 =	vld [tilespmem:$0x30];
	_ =	sdelay $0x7  }
0x24: {  	[tilespmem:v2+s11+$0x0] =	vst.idx.add.f32.msk $0xffff, v1  }
0x25: {  	v2 =	vld [tilespmem:$0x40];
	_ =	sdelay $0x7  }
0x26: {  	[tilespmem:v2+s11+$0x0] =	vst.idx.add.f32.msk $0xffff, v1  }
0x27: {  	v2 =	vld [tilespmem:$0x50];
	_ =	sdelay $0x7  }
0x28: {  	[tilespmem:v2+s11+$0x0] =	vst.idx.add.f32.msk $0xffff, v1  }
0x29: {  	v2 =	vld [tilespmem:$0x60];
	_ =	sdelay $0x7  }
0x2a: {  	[tilespmem:v2+s11+$0x0] =	vst.idx.add.f32.msk $0xffff, v1  }
0x2b: {  	v2 =	vld [tilespmem:$0x70];
	_ =	sdelay $0x7  }
0x2c: {  	[tilespmem:v2+s11+$0x0] =	vst.idx.add.f32.msk $0xffff, v1  }
0x2d: {  	v2 =	vld [tilespmem:$0x80];
	_ =	sdelay $0x7  }
0x2e: {  	[tilespmem:v2+s11+$0x0] =	vst.idx.add.f32.msk $0xffff, v1  }
0x2f: {  	v2 =	vld [tilespmem:$0x90];
	_ =	sdelay $0x7  }
0x30: {  	[tilespmem:v2+s11+$0x0] =	vst.idx.add.f32.msk $0xffff, v1  }
0x31: {  	v2 =	vld [tilespmem:$0xA0];
	_ =	sdelay $0x7  }
0x32: {  	[tilespmem:v2+s11+$0x0] =	vst.idx.add.f32.msk $0xffff, v1  }
0x33: {  	v2 =	vld [tilespmem:$0xB0];
	_ =	sdelay $0x7  }
0x34: {  	[tilespmem:v2+s11+$0x0] =	vst.idx.add.f32.msk $0xffff, v1  }
0x35: {  	v2 =	vld [tilespmem:$0xC0];
	_ =	sdelay $0x7  }
0x36: {  	[tilespmem:v2+s11+$0x0] =	vst.idx.add.f32.msk $0xffff, v1  }
0x37: {  	v2 =	vld [tilespmem:$0xD0];
	_ =	sdelay $0x7  }
0x38: {  	[tilespmem:v2+s11+$0x0] =	vst.idx.add.f32.msk $0xffff, v1  }
0x39: {  	v2 =	vld [tilespmem:$0xE0];
	_ =	sdelay $0x7  }
0x3a: {  	[tilespmem:v2+s11+$0x0] =	vst.idx.add.f32.msk $0xffff, v1  }
0x3b: {  	v2 =	vld [tilespmem:$0xF0];
	_ =	sdelay $0x5  }
0x3c: {  	s12 =	sadd.s32 $0x1, s12  }
0x3d: {  	p0 =	sne.s32 s12, s7  }
.Ltmp1:
0x3e: {  	[tilespmem:v2+s11+$0x0] =	vst.idx.add.f32.msk $0xffff, v1;
	(pc) =	sbr.rel @p0 .LBB2_1-.Ltmp1, $4  }
0x3f: {  	[hbm4b:s6+s3] =	stream.linear.scatter [tilespmem:s11], [sflag:$0x2], $0x2000, $0x38;
	[tilespmem:$0x4100] =	vst v63  }
0x40: {  	_ =	swait.ge [sflag:s8], $0x2000  }
0x41: {  	[sflag:s8] =	ssyncset.done $0x0  }
0x42: {  	[sflag:s8] =	ssyncadd.s32 $0xFFFFE000  }
0x43: {  	_ =	sfence.sel $0x180000  }
0x44: {  	[bflag:$0x0] =	sbarrier.arrive $0xFFFF  }
0x45: {  	p0 =	sne.s32 s2, $0x0;
	_ =	strace $0x90000047  }
0x46: {  	s0 =	sadd.s32 @!p0 $0x100000, s0;
	[bflag:$0x2] =	sbarrier.arrive $0xFFFF  }
0x47: {  	[sflag:s0] =	ssyncadd.tile.s32 @!p0 $0x1;
	_ =	shalt  }
.Lfunc_end2:
_tile_overlayer_lowered:
.L_overlay_start_2:
0x48: {  	(tag) =	ssettag $0x2  }
0x49: {  	s0 =	rddreg [dreg:$0x0];
	s2 =	stileid.u32  }
0x4a: {  	s1 =	rddreg [dreg:$0x1];
	p0 =	sne.s32 s2, $0x0  }
0x4b: {  	s3 =	rddreg [dreg:$0x2];
	[bflag:$0x3] =	sbarrier.arrive $0xFFFF;
	s2 =	simm.s32 @!p0 $0x1C02  }
0x4c: {  	[timem:s3], [sflag:s2] =	dma.local @!p0 [hbm:s0], s1  }
0x4d: {  	s0 =	simm.s32 @!p0 $0x2  }
0x4e: {  	_ =	swait.ge @!p0 [sflag:s0], s1  }
0x4f: {  	s1 =	ssub.s32 @!p0 $0x0, s1;
	[sflag:s0] =	ssyncset.done @!p0 $0x0  }
0x50: {  	[sflag:s0] =	ssyncadd.s32 @!p0 s1  }
0x51: {  	[bflag:$0x3] =	sbarrier.arrive $0xFFFF  }
0x52: {  	_ =	shalt  }

</sc_bundles>
